<compile_context>
chip_gen: v7x
topology: tpu7x:2x2x1
jax: 0.10.2.dev20260603
libtpu: 0.0.44.dev20260713+nightly
codegen_flags: <defaults>
</compile_context>

<pallas_src>
import functools

import jax
import jax.numpy as jnp
from jax import lax
from jax.experimental import pallas as pl
from jax.experimental.pallas import tpu as pltpu
from jax.experimental.pallas import tpu_sc as plsc

E = 4096
D = 128
NREL = 64
BLK = 2048

_NC = 2
_NS = 16
_NW = _NC * _NS
_BPW = E // _NW


def _sc_gather(table, h_idx, t_idx):
  mesh = plsc.VectorSubcoreMesh(
      core_axis_name="c", subcore_axis_name="s",
      num_cores=_NC, num_subcores=_NS)

  @functools.partial(
      pl.kernel,
      out_type=(jax.ShapeDtypeStruct((E, D), jnp.float32),
                jax.ShapeDtypeStruct((E, D), jnp.float32)),
      mesh=mesh,
      scratch_types=(pltpu.VMEM((_BPW,), jnp.int32),
                     pltpu.VMEM((_BPW, D), jnp.float32),
                     pltpu.VMEM((_BPW,), jnp.int32),
                     pltpu.VMEM((_BPW, D), jnp.float32),
                     pltpu.SemaphoreType.DMA,
                     pltpu.SemaphoreType.DMA,
                     pltpu.SemaphoreType.DMA,
                     pltpu.SemaphoreType.DMA,
                     pltpu.SemaphoreType.DMA,
                     pltpu.SemaphoreType.DMA),
  )
  def k(table_hbm, hi_hbm, ti_hbm, h_out, t_out,
        hi_v, hrows_v, ti_v, trows_v,
        sem_ih, sem_it, sem_h, sem_t, sem_oh, sem_ot):
    wid = lax.axis_index("s") * _NC + lax.axis_index("c")
    base = wid * _BPW
    cih = pltpu.async_copy(hi_hbm.at[pl.ds(base, _BPW)], hi_v, sem_ih)
    cit = pltpu.async_copy(ti_hbm.at[pl.ds(base, _BPW)], ti_v, sem_it)
    cih.wait()
    ch = pltpu.async_copy(table_hbm.at[hi_v], hrows_v, sem_h)
    cit.wait()
    ct = pltpu.async_copy(table_hbm.at[ti_v], trows_v, sem_t)
    ch.wait()
    coh = pltpu.async_copy(hrows_v, h_out.at[pl.ds(base, _BPW)], sem_oh)
    ct.wait()
    cot = pltpu.async_copy(trows_v, t_out.at[pl.ds(base, _BPW)], sem_ot)
    coh.wait()
    cot.wait()

  return k(table, h_idx, t_idx)


def _tc_body(h_ref, t_ref, rel_ref, ridx_ref, w13_ref, w24_ref,
             bh_ref, br_ref, semw_ref, out_ref):
  mm = lambda a, b: jnp.dot(a, b, preferred_element_type=jnp.float32,
                            precision=lax.Precision.DEFAULT)
  H = h_ref[...]
  T = t_ref[...]
  R = rel_ref[...]
  Wt = semw_ref[:D, :]
  Wb = semw_ref[D:, :]
  RT = mm(R, Wt)
  RB = mm(R, Wb)
  sv13 = mm(R, w13_ref[...])
  sv1b = jnp.broadcast_to(sv13[:, 0:1], (NREL, D))
  sv3b = jnp.broadcast_to(sv13[:, 1:2], (NREL, D))
  cvec = mm(bh_ref[...], Wt) + mm(br_ref[...], Wb)
  iota = lax.broadcasted_iota(jnp.int32, (BLK, NREL), 1)
  onehot = (iota == ridx_ref[...]).astype(jnp.float32)
  s1 = mm(onehot, sv1b)
  s3 = mm(onehot, sv3b)
  s24 = mm(H, w24_ref[...])
  s2 = s24[:, 0:1]
  s4 = s24[:, 1:2]
  proj = (mm(H * s1, Wt) + mm(H * s3, Wb)
          + mm(onehot * s2, RT) + mm(onehot * s4, RB) + cvec)
  x = proj * T
  y = jnp.where(x >= 0, x, 0.01 * x)
  out_ref[...] = jnp.sum(y, axis=1, keepdims=True)


def kernel(entity_embed, relation_embed, h_trans_w1, h_trans_w2, h_bias_b,
           r_trans_w1, r_trans_w2, r_bias_b, sem_trans_w,
           h_batch, t_batch, r_batch):
  H, T = _sc_gather(entity_embed, h_batch, t_batch)
  full = lambda shape: pl.BlockSpec(shape, lambda i: (0, 0))
  out = pl.pallas_call(
      _tc_body,
      grid=(E // BLK,),
      in_specs=[
          pl.BlockSpec((BLK, D), lambda i: (i, 0)),
          pl.BlockSpec((BLK, D), lambda i: (i, 0)),
          full((NREL, D)),
          pl.BlockSpec((BLK, 1), lambda i: (i, 0)),
          full((D, 2)),
          full((D, 2)),
          full((1, D)), full((1, D)),
          full((2 * D, D)),
      ],
      out_specs=pl.BlockSpec((BLK, 1), lambda i: (i, 0)),
      out_shape=jax.ShapeDtypeStruct((E, 1), jnp.float32),
  )(H, T, relation_embed, r_batch.reshape(E, 1),
    jnp.stack([h_trans_w1, h_trans_w2], axis=1),
    jnp.stack([r_trans_w2, r_trans_w1], axis=1),
    h_bias_b.reshape(1, D), r_bias_b.reshape(1, D), sem_trans_w)
  return out.reshape(E)

# --- scband reference (transcript-rebuilt; emitter-appended) ---
"""Pipeline reference for scband-sur-73031623901809 (READ-ONLY COPY).

The authoritative reference and input builder live on the scoring server;
editing this copy changes nothing except your own understanding.
"""

import jax, jax.numpy as jnp
import numpy as np

N_ENTITIES = 100000
N_RELATIONS = 64
EMBED_DIM = 128
E = 4096


def setup_inputs(seed: int = 0) -> dict:
    key = jax.random.key(seed)
    k1, k2, k3, k4, k5, k6 = jax.random.split(key, 6)
    entity_embed = jax.random.normal(k1, (N_ENTITIES, EMBED_DIM), dtype=jnp.float32) * 0.05
    relation_embed = jax.random.normal(k2, (N_RELATIONS, EMBED_DIM), dtype=jnp.float32) * 0.05
    sem_trans_w = jax.random.normal(k3, (2 * EMBED_DIM, EMBED_DIM), dtype=jnp.float32) * 0.05
    # torch init: trans weights = 1, biases = 0
    h_trans_w1 = jnp.ones((EMBED_DIM,), dtype=jnp.float32)
    h_trans_w2 = jnp.ones((EMBED_DIM,), dtype=jnp.float32)
    h_bias_b = jnp.zeros((EMBED_DIM,), dtype=jnp.float32)
    r_trans_w1 = jnp.ones((EMBED_DIM,), dtype=jnp.float32)
    r_trans_w2 = jnp.ones((EMBED_DIM,), dtype=jnp.float32)
    r_bias_b = jnp.zeros((EMBED_DIM,), dtype=jnp.float32)
    h_batch = jax.random.randint(k4, (E,), 0, N_ENTITIES).astype(jnp.int32)
    t_batch = jax.random.randint(k5, (E,), 0, N_ENTITIES).astype(jnp.int32)
    r_batch = jax.random.randint(k6, (E,), 0, N_RELATIONS).astype(jnp.int32)
    return {
        "entity_embed": entity_embed,
        "relation_embed": relation_embed,
        "h_trans_w1": h_trans_w1,
        "h_trans_w2": h_trans_w2,
        "h_bias_b": h_bias_b,
        "r_trans_w1": r_trans_w1,
        "r_trans_w2": r_trans_w2,
        "r_bias_b": r_bias_b,
        "sem_trans_w": sem_trans_w,
        "h_batch": h_batch,
        "t_batch": t_batch,
        "r_batch": r_batch,
    }


def reference(entity_embed, relation_embed, h_trans_w1, h_trans_w2, h_bias_b,
              r_trans_w1, r_trans_w2, r_bias_b, sem_trans_w,
              h_batch, t_batch, r_batch):
    # SUR.forward(h_batch, t_batch, r_batch, mode='update_att') -> update_attention
    h_embed = jnp.take(entity_embed, h_batch, axis=0)      # (E, d) gather
    r_embed = jnp.take(relation_embed, r_batch, axis=0)    # (E, d) gather
    # calc_sur: sem = bmm(h.view(B,d,1), r.view(B,1,d)) -> (E, d, d)
    sem = jnp.einsum('bi,bj->bij', h_embed, r_embed)
    sem_t = jnp.swapaxes(sem, 1, 2)
    cross_h = jnp.matmul(sem, h_trans_w1) + jnp.matmul(sem_t, r_trans_w2) + h_bias_b
    cross_r = jnp.matmul(sem, h_trans_w2) + jnp.matmul(sem_t, r_trans_w1) + r_bias_b
    cross_h_r = jnp.concatenate([cross_h, cross_r], axis=1)  # (E, 2d)
    t_embed = jnp.take(entity_embed, t_batch, axis=0)        # (E, d) gather
    batch_att = jnp.sum(jax.nn.leaky_relu((cross_h_r @ sem_trans_w) * t_embed, negative_slope=0.01), axis=1)
    return batch_att

if __name__ == "__main__":
    import jax
    _d = setup_inputs()
    print(jax.jit(kernel)(*tuple(_d.values())))

</pallas_src>

<mosaic_0001>
#map = affine_map<(d0, d1) -> (0, 0)>
#map1 = affine_map<(d0, d1) -> (0)>
module attributes {stable_mosaic.version = 14 : i64} {
  func.func @k(%arg0: i32, %arg1: i32, %arg2: memref<100000x128xf32, #tpu.memory_space<hbm>>, %arg3: memref<4096xi32, #tpu.memory_space<hbm>>, %arg4: memref<4096xi32, #tpu.memory_space<hbm>>, %arg5: memref<4096x128xf32, #tpu.memory_space<hbm>>, %arg6: memref<4096x128xf32, #tpu.memory_space<hbm>>, %arg7: memref<128xi32, #tpu.memory_space<vmem>>, %arg8: memref<128x128xf32, #tpu.memory_space<vmem>>, %arg9: memref<128xi32, #tpu.memory_space<vmem>>, %arg10: memref<128x128xf32, #tpu.memory_space<vmem>>, %arg11: memref<!tpu.dma_semaphore, #tpu.memory_space<semaphore_mem>>, %arg12: memref<!tpu.dma_semaphore, #tpu.memory_space<semaphore_mem>>, %arg13: memref<!tpu.dma_semaphore, #tpu.memory_space<semaphore_mem>>, %arg14: memref<!tpu.dma_semaphore, #tpu.memory_space<semaphore_mem>>, %arg15: memref<!tpu.dma_semaphore, #tpu.memory_space<semaphore_mem>>, %arg16: memref<!tpu.dma_semaphore, #tpu.memory_space<semaphore_mem>>) attributes {dimension_semantics = [#tpu.dimension_semantics<core_parallel>, #tpu.dimension_semantics<subcore_parallel>], iteration_bounds = array<i64: 2, 16>, scalar_prefetch = 0 : i64, scratch_operands = 10 : i64, tpu.core_type = #tpu.core_type<sc_vector_subcore>, window_params = [{transform_indices = #map}, {transform_indices = #map1}, {transform_indices = #map1}, {transform_indices = #map}, {transform_indices = #map}]} {
    %mul3A = arith.constant 2 : i32
    %mul3A_0 = arith.muli %arg1, %mul3A : i32
    %add3A = arith.addi %mul3A_0, %arg0 : i32
    %mul3A_1 = arith.constant 128 : i32
    %mul3A_2 = arith.muli %add3A, %mul3A_1 : i32
    %dma_start3A = tpu.memref_slice %arg3[%mul3A_2] : memref<4096xi32, #tpu.memory_space<hbm>> -> memref<128xi32, #tpu.memory_space<hbm>>
    %dma_start3A_3 = tpu.memref_slice %arg3[%mul3A_2] : memref<4096xi32, #tpu.memory_space<hbm>> -> memref<128xi32, #tpu.memory_space<hbm>>
    tpu.enqueue_dma source(%dma_start3A_3 : memref<128xi32, #tpu.memory_space<hbm>>) target(%arg7 : memref<128xi32, #tpu.memory_space<vmem>>) target_semaphore(%arg11 : memref<!tpu.dma_semaphore, #tpu.memory_space<semaphore_mem>>)
    %dma_start3A_4 = tpu.memref_slice %arg4[%mul3A_2] : memref<4096xi32, #tpu.memory_space<hbm>> -> memref<128xi32, #tpu.memory_space<hbm>>
    %dma_start3A_5 = tpu.memref_slice %arg4[%mul3A_2] : memref<4096xi32, #tpu.memory_space<hbm>> -> memref<128xi32, #tpu.memory_space<hbm>>
    tpu.enqueue_dma source(%dma_start3A_5 : memref<128xi32, #tpu.memory_space<hbm>>) target(%arg9 : memref<128xi32, #tpu.memory_space<vmem>>) target_semaphore(%arg12 : memref<!tpu.dma_semaphore, #tpu.memory_space<semaphore_mem>>)
    %dma_wait3A = tpu.memref_slice %arg3[%mul3A_2] : memref<4096xi32, #tpu.memory_space<hbm>> -> memref<128xi32, #tpu.memory_space<hbm>>
    %dma_wait3A_6 = tpu.memref_slice %arg3[%mul3A_2] : memref<4096xi32, #tpu.memory_space<hbm>> -> memref<128xi32, #tpu.memory_space<hbm>>
    tpu.wait_dma2 semaphore(%arg11 : memref<!tpu.dma_semaphore, #tpu.memory_space<semaphore_mem>>) src(%dma_wait3A_6 : memref<128xi32, #tpu.memory_space<hbm>>) dst(%arg7 : memref<128xi32, #tpu.memory_space<vmem>>)
    %dma_start3A_7 = arith.constant 0 : i32
    %dma_start3A_8 = arith.constant 0 : i32
    %dma_start3A_9 = tpu.memref_slice %arg2[%dma_start3A_7, %dma_start3A_8] : memref<100000x128xf32, #tpu.memory_space<hbm>> -> memref<100000x128xf32, #tpu.memory_space<hbm>>
    tpu.enqueue_indirect_dma source(%dma_start3A_9 : memref<100000x128xf32, #tpu.memory_space<hbm>>) target(%arg8 : memref<128x128xf32, #tpu.memory_space<vmem>>) offsets(%arg7 : memref<128xi32, #tpu.memory_space<vmem>>) semaphore(%arg13 : memref<!tpu.dma_semaphore, #tpu.memory_space<semaphore_mem>>)
    %dma_wait3A_10 = tpu.memref_slice %arg4[%mul3A_2] : memref<4096xi32, #tpu.memory_space<hbm>> -> memref<128xi32, #tpu.memory_space<hbm>>
    %dma_wait3A_11 = tpu.memref_slice %arg4[%mul3A_2] : memref<4096xi32, #tpu.memory_space<hbm>> -> memref<128xi32, #tpu.memory_space<hbm>>
    tpu.wait_dma2 semaphore(%arg12 : memref<!tpu.dma_semaphore, #tpu.memory_space<semaphore_mem>>) src(%dma_wait3A_11 : memref<128xi32, #tpu.memory_space<hbm>>) dst(%arg9 : memref<128xi32, #tpu.memory_space<vmem>>)
    %dma_start3A_12 = arith.constant 0 : i32
    %dma_start3A_13 = arith.constant 0 : i32
    %dma_start3A_14 = tpu.memref_slice %arg2[%dma_start3A_12, %dma_start3A_13] : memref<100000x128xf32, #tpu.memory_space<hbm>> -> memref<100000x128xf32, #tpu.memory_space<hbm>>
    tpu.enqueue_indirect_dma source(%dma_start3A_14 : memref<100000x128xf32, #tpu.memory_space<hbm>>) target(%arg10 : memref<128x128xf32, #tpu.memory_space<vmem>>) offsets(%arg9 : memref<128xi32, #tpu.memory_space<vmem>>) semaphore(%arg14 : memref<!tpu.dma_semaphore, #tpu.memory_space<semaphore_mem>>)
    %dma_wait3A_15 = arith.constant 0 : i32
    %dma_wait3A_16 = arith.constant 0 : i32
    %dma_wait3A_17 = tpu.memref_slice %arg2[%dma_wait3A_15, %dma_wait3A_16] : memref<100000x128xf32, #tpu.memory_space<hbm>> -> memref<100000x128xf32, #tpu.memory_space<hbm>>
    tpu.wait_indirect_dma semaphore(%arg13 : memref<!tpu.dma_semaphore, #tpu.memory_space<semaphore_mem>>) src(%dma_wait3A_17 : memref<100000x128xf32, #tpu.memory_space<hbm>>) dst(%arg8 : memref<128x128xf32, #tpu.memory_space<vmem>>)
    %dma_start3A_18 = arith.constant 0 : i32
    %dma_start3A_19 = tpu.memref_slice %arg5[%mul3A_2, %dma_start3A_18] : memref<4096x128xf32, #tpu.memory_space<hbm>> -> memref<128x128xf32, #tpu.memory_space<hbm>>
    %dma_start3A_20 = arith.constant 0 : i32
    %dma_start3A_21 = tpu.memref_slice %arg5[%mul3A_2, %dma_start3A_20] : memref<4096x128xf32, #tpu.memory_space<hbm>> -> memref<128x128xf32, #tpu.memory_space<hbm>>
    tpu.enqueue_dma source(%arg8 : memref<128x128xf32, #tpu.memory_space<vmem>>) target(%dma_start3A_21 : memref<128x128xf32, #tpu.memory_space<hbm>>) target_semaphore(%arg15 : memref<!tpu.dma_semaphore, #tpu.memory_space<semaphore_mem>>)
    %dma_wait3A_22 = arith.constant 0 : i32
    %dma_wait3A_23 = arith.constant 0 : i32
    %dma_wait3A_24 = tpu.memref_slice %arg2[%dma_wait3A_22, %dma_wait3A_23] : memref<100000x128xf32, #tpu.memory_space<hbm>> -> memref<100000x128xf32, #tpu.memory_space<hbm>>
    tpu.wait_indirect_dma semaphore(%arg14 : memref<!tpu.dma_semaphore, #tpu.memory_space<semaphore_mem>>) src(%dma_wait3A_24 : memref<100000x128xf32, #tpu.memory_space<hbm>>) dst(%arg10 : memref<128x128xf32, #tpu.memory_space<vmem>>)
    %dma_start3A_25 = arith.constant 0 : i32
    %dma_start3A_26 = tpu.memref_slice %arg6[%mul3A_2, %dma_start3A_25] : memref<4096x128xf32, #tpu.memory_space<hbm>> -> memref<128x128xf32, #tpu.memory_space<hbm>>
    %dma_start3A_27 = arith.constant 0 : i32
    %dma_start3A_28 = tpu.memref_slice %arg6[%mul3A_2, %dma_start3A_27] : memref<4096x128xf32, #tpu.memory_space<hbm>> -> memref<128x128xf32, #tpu.memory_space<hbm>>
    tpu.enqueue_dma source(%arg10 : memref<128x128xf32, #tpu.memory_space<vmem>>) target(%dma_start3A_28 : memref<128x128xf32, #tpu.memory_space<hbm>>) target_semaphore(%arg16 : memref<!tpu.dma_semaphore, #tpu.memory_space<semaphore_mem>>)
    %dma_wait3A_29 = arith.constant 0 : i32
    %dma_wait3A_30 = tpu.memref_slice %arg5[%mul3A_2, %dma_wait3A_29] : memref<4096x128xf32, #tpu.memory_space<hbm>> -> memref<128x128xf32, #tpu.memory_space<hbm>>
    %dma_wait3A_31 = arith.constant 0 : i32
    %dma_wait3A_32 = tpu.memref_slice %arg5[%mul3A_2, %dma_wait3A_31] : memref<4096x128xf32, #tpu.memory_space<hbm>> -> memref<128x128xf32, #tpu.memory_space<hbm>>
    tpu.wait_dma2 semaphore(%arg15 : memref<!tpu.dma_semaphore, #tpu.memory_space<semaphore_mem>>) src(%arg8 : memref<128x128xf32, #tpu.memory_space<vmem>>) dst(%dma_wait3A_32 : memref<128x128xf32, #tpu.memory_space<hbm>>)
    %dma_wait3A_33 = arith.constant 0 : i32
    %dma_wait3A_34 = tpu.memref_slice %arg6[%mul3A_2, %dma_wait3A_33] : memref<4096x128xf32, #tpu.memory_space<hbm>> -> memref<128x128xf32, #tpu.memory_space<hbm>>
    %dma_wait3A_35 = arith.constant 0 : i32
    %dma_wait3A_36 = tpu.memref_slice %arg6[%mul3A_2, %dma_wait3A_35] : memref<4096x128xf32, #tpu.memory_space<hbm>> -> memref<128x128xf32, #tpu.memory_space<hbm>>
    tpu.wait_dma2 semaphore(%arg16 : memref<!tpu.dma_semaphore, #tpu.memory_space<semaphore_mem>>) src(%arg10 : memref<128x128xf32, #tpu.memory_space<vmem>>) dst(%dma_wait3A_36 : memref<128x128xf32, #tpu.memory_space<hbm>>)
    return
  }
}

module attributes {stable_mosaic.version = 14 : i64} {
  func.func @_tc_body(%arg0: i32, %arg1: memref<2048x128xf32, #tpu.memory_space<vmem>>, %arg2: memref<2048x128xf32, #tpu.memory_space<vmem>>, %arg3: memref<64x128xf32, #tpu.memory_space<vmem>>, %arg4: memref<2048x1xi32, #tpu.memory_space<vmem>>, %arg5: memref<128x2xf32, #tpu.memory_space<vmem>>, %arg6: memref<128x2xf32, #tpu.memory_space<vmem>>, %arg7: memref<1x128xf32, #tpu.memory_space<vmem>>, %arg8: memref<1x128xf32, #tpu.memory_space<vmem>>, %arg9: memref<256x128xf32, #tpu.memory_space<vmem>>, %arg10: memref<2048x1xf32, #tpu.memory_space<vmem>>) attributes {dimension_semantics = [#tpu.dimension_semantics<arbitrary>], iteration_bounds = array<i64: 2>, scalar_prefetch = 0 : i64, scratch_operands = 0 : i64, tpu.core_type = #tpu.core_type<tc>, window_params = [{transform_indices = @transform_0, window_bounds = array<i64: 2048, 128>}, {transform_indices = @transform_1, window_bounds = array<i64: 2048, 128>}, {pipeline_mode = #tpu.pipeline_mode<synchronous>, transform_indices = @transform_2, window_bounds = array<i64: 64, 128>}, {transform_indices = @transform_3, window_bounds = array<i64: 2048, 1>}, {pipeline_mode = #tpu.pipeline_mode<synchronous>, transform_indices = @transform_4, window_bounds = array<i64: 128, 2>}, {pipeline_mode = #tpu.pipeline_mode<synchronous>, transform_indices = @transform_5, window_bounds = array<i64: 128, 2>}, {pipeline_mode = #tpu.pipeline_mode<synchronous>, transform_indices = @transform_6, window_bounds = array<i64: 1, 128>}, {pipeline_mode = #tpu.pipeline_mode<synchronous>, transform_indices = @transform_7, window_bounds = array<i64: 1, 128>}, {pipeline_mode = #tpu.pipeline_mode<synchronous>, transform_indices = @transform_8, window_bounds = array<i64: 256, 128>}, {transform_indices = @transform_9, window_bounds = array<i64: 2048, 1>}]} {
    %get3A = arith.constant 0 : index
    %get3A_0 = arith.constant 0 : index
    %get3A_1 = vector.load %arg1[%get3A, %get3A_0] : memref<2048x128xf32, #tpu.memory_space<vmem>>, vector<2048x128xf32>
    %get3A_2 = arith.constant 0 : index
    %get3A_3 = arith.constant 0 : index
    %get3A_4 = vector.load %arg2[%get3A_2, %get3A_3] : memref<2048x128xf32, #tpu.memory_space<vmem>>, vector<2048x128xf32>
    %get3A_5 = arith.constant 0 : index
    %get3A_6 = arith.constant 0 : index
    %get3A_7 = vector.load %arg3[%get3A_5, %get3A_6] : memref<64x128xf32, #tpu.memory_space<vmem>>, vector<64x128xf32>
    %get3A_8 = arith.constant 0 : index
    %get3A_9 = arith.constant 0 : index
    %get3A_10 = vector.load %arg9[%get3A_8, %get3A_9] : memref<256x128xf32, #tpu.memory_space<vmem>>, vector<128x128xf32>
    %get3A_11 = arith.constant 128 : index
    %get3A_12 = arith.constant 0 : index
    %get3A_13 = vector.load %arg9[%get3A_11, %get3A_12] : memref<256x128xf32, #tpu.memory_space<vmem>>, vector<128x128xf32>
    %dot_general3A = arith.constant dense<0.000000e+00> : vector<64x128xf32>
    %dot_general3A_14 = tpu.matmul %get3A_7, %get3A_10, %dot_general3A {dimension_numbers = #tpu.dot_dimension_numbers<[1], [0], [0], [1], [0, 0, 1, 1], [], []>, transpose_lhs_hint = false} : vector<64x128xf32>, vector<128x128xf32>, vector<64x128xf32> -> vector<64x128xf32>
    %dot_general3A_15 = arith.constant dense<0.000000e+00> : vector<64x128xf32>
    %dot_general3A_16 = tpu.matmul %get3A_7, %get3A_13, %dot_general3A_15 {dimension_numbers = #tpu.dot_dimension_numbers<[1], [0], [0], [1], [0, 0, 1, 1], [], []>, transpose_lhs_hint = false} : vector<64x128xf32>, vector<128x128xf32>, vector<64x128xf32> -> vector<64x128xf32>
    %get3A_17 = arith.constant 0 : index
    %get3A_18 = arith.constant 0 : index
    %get3A_19 = vector.load %arg5[%get3A_17, %get3A_18] : memref<128x2xf32, #tpu.memory_space<vmem>>, vector<128x2xf32>
    %dot_general3A_20 = arith.constant dense<0.000000e+00> : vector<64x2xf32>
    %dot_general3A_21 = tpu.matmul %get3A_7, %get3A_19, %dot_general3A_20 {dimension_numbers = #tpu.dot_dimension_numbers<[1], [0], [0], [1], [0, 0, 1, 1], [], []>, transpose_lhs_hint = false} : vector<64x128xf32>, vector<128x2xf32>, vector<64x2xf32> -> vector<64x2xf32>
    %slice3A = vector.extract_strided_slice %dot_general3A_21 {offsets = [0, 0], sizes = [64, 1], strides = [1, 1]} : vector<64x2xf32> to vector<64x1xf32>
    %broadcast_in_dim3A = vector.shape_cast %slice3A : vector<64x1xf32> to vector<64x1xf32>
    %broadcast_in_dim3A_22 = vector.broadcast %broadcast_in_dim3A : vector<64x1xf32> to vector<64x128xf32>
    %slice3A_23 = vector.extract_strided_slice %dot_general3A_21 {offsets = [0, 1], sizes = [64, 1], strides = [1, 1]} : vector<64x2xf32> to vector<64x1xf32>
    %broadcast_in_dim3A_24 = vector.shape_cast %slice3A_23 : vector<64x1xf32> to vector<64x1xf32>
    %broadcast_in_dim3A_25 = vector.broadcast %broadcast_in_dim3A_24 : vector<64x1xf32> to vector<64x128xf32>
    %get3A_26 = arith.constant 0 : index
    %get3A_27 = arith.constant 0 : index
    %get3A_28 = vector.load %arg7[%get3A_26, %get3A_27] : memref<1x128xf32, #tpu.memory_space<vmem>>, vector<1x128xf32>
    %dot_general3A_29 = arith.constant dense<0.000000e+00> : vector<1x128xf32>
    %dot_general3A_30 = tpu.matmul %get3A_28, %get3A_10, %dot_general3A_29 {dimension_numbers = #tpu.dot_dimension_numbers<[1], [0], [0], [1], [0, 0, 1, 1], [], []>, transpose_lhs_hint = false} : vector<1x128xf32>, vector<128x128xf32>, vector<1x128xf32> -> vector<1x128xf32>
    %get3A_31 = arith.constant 0 : index
    %get3A_32 = arith.constant 0 : index
    %get3A_33 = vector.load %arg8[%get3A_31, %get3A_32] : memref<1x128xf32, #tpu.memory_space<vmem>>, vector<1x128xf32>
    %dot_general3A_34 = arith.constant dense<0.000000e+00> : vector<1x128xf32>
    %dot_general3A_35 = tpu.matmul %get3A_33, %get3A_13, %dot_general3A_34 {dimension_numbers = #tpu.dot_dimension_numbers<[1], [0], [0], [1], [0, 0, 1, 1], [], []>, transpose_lhs_hint = false} : vector<1x128xf32>, vector<128x128xf32>, vector<1x128xf32> -> vector<1x128xf32>
    %add3A = arith.addf %dot_general3A_30, %dot_general3A_35 : vector<1x128xf32>
    %iota3A = tpu.iota {dimensions = array<i32: 1>} : vector<2048x64xi32>
    %get3A_36 = arith.constant 0 : index
    %get3A_37 = arith.constant 0 : index
    %get3A_38 = vector.load %arg4[%get3A_36, %get3A_37] : memref<2048x1xi32, #tpu.memory_space<vmem>>, vector<2048x1xi32>
    %eq3A = vector.broadcast %get3A_38 : vector<2048x1xi32> to vector<2048x64xi32>
    %eq3A_39 = arith.cmpi eq, %iota3A, %eq3A : vector<2048x64xi32>
    %convert_element_type3A = arith.extui %eq3A_39 : vector<2048x64xi1> to vector<2048x64xi32>
    %convert_element_type3A_40 = arith.sitofp %convert_element_type3A : vector<2048x64xi32> to vector<2048x64xf32>
    %dot_general3A_41 = arith.constant dense<0.000000e+00> : vector<2048x128xf32>
    %dot_general3A_42 = tpu.matmul %convert_element_type3A_40, %broadcast_in_dim3A_22, %dot_general3A_41 {dimension_numbers = #tpu.dot_dimension_numbers<[1], [0], [0], [1], [0, 0, 1, 1], [], []>, transpose_lhs_hint = false} : vector<2048x64xf32>, vector<64x128xf32>, vector<2048x128xf32> -> vector<2048x128xf32>
    %dot_general3A_43 = arith.constant dense<0.000000e+00> : vector<2048x128xf32>
    %dot_general3A_44 = tpu.matmul %convert_element_type3A_40, %broadcast_in_dim3A_25, %dot_general3A_43 {dimension_numbers = #tpu.dot_dimension_numbers<[1], [0], [0], [1], [0, 0, 1, 1], [], []>, transpose_lhs_hint = false} : vector<2048x64xf32>, vector<64x128xf32>, vector<2048x128xf32> -> vector<2048x128xf32>
    %get3A_45 = arith.constant 0 : index
    %get3A_46 = arith.constant 0 : index
    %get3A_47 = vector.load %arg6[%get3A_45, %get3A_46] : memref<128x2xf32, #tpu.memory_space<vmem>>, vector<128x2xf32>
    %dot_general3A_48 = arith.constant dense<0.000000e+00> : vector<2048x2xf32>
    %dot_general3A_49 = tpu.matmul %get3A_1, %get3A_47, %dot_general3A_48 {dimension_numbers = #tpu.dot_dimension_numbers<[1], [0], [0], [1], [0, 0, 1, 1], [], []>, transpose_lhs_hint = false} : vector<2048x128xf32>, vector<128x2xf32>, vector<2048x2xf32> -> vector<2048x2xf32>
    %slice3A_50 = vector.extract_strided_slice %dot_general3A_49 {offsets = [0, 0], sizes = [2048, 1], strides = [1, 1]} : vector<2048x2xf32> to vector<2048x1xf32>
    %slice3A_51 = vector.extract_strided_slice %dot_general3A_49 {offsets = [0, 1], sizes = [2048, 1], strides = [1, 1]} : vector<2048x2xf32> to vector<2048x1xf32>
    %mul3A = arith.mulf %get3A_1, %dot_general3A_42 : vector<2048x128xf32>
    %dot_general3A_52 = arith.constant dense<0.000000e+00> : vector<2048x128xf32>
    %dot_general3A_53 = tpu.matmul %mul3A, %get3A_10, %dot_general3A_52 {dimension_numbers = #tpu.dot_dimension_numbers<[1], [0], [0], [1], [0, 0, 1, 1], [], []>, transpose_lhs_hint = false} : vector<2048x128xf32>, vector<128x128xf32>, vector<2048x128xf32> -> vector<2048x128xf32>
    %mul3A_54 = arith.mulf %get3A_1, %dot_general3A_44 : vector<2048x128xf32>
    %dot_general3A_55 = arith.constant dense<0.000000e+00> : vector<2048x128xf32>
    %dot_general3A_56 = tpu.matmul %mul3A_54, %get3A_13, %dot_general3A_55 {dimension_numbers = #tpu.dot_dimension_numbers<[1], [0], [0], [1], [0, 0, 1, 1], [], []>, transpose_lhs_hint = false} : vector<2048x128xf32>, vector<128x128xf32>, vector<2048x128xf32> -> vector<2048x128xf32>
    %add3A_57 = arith.addf %dot_general3A_53, %dot_general3A_56 : vector<2048x128xf32>
    %mul3A_58 = vector.broadcast %slice3A_50 : vector<2048x1xf32> to vector<2048x64xf32>
    %mul3A_59 = arith.mulf %convert_element_type3A_40, %mul3A_58 : vector<2048x64xf32>
    %dot_general3A_60 = arith.constant dense<0.000000e+00> : vector<2048x128xf32>
    %dot_general3A_61 = tpu.matmul %mul3A_59, %dot_general3A_14, %dot_general3A_60 {dimension_numbers = #tpu.dot_dimension_numbers<[1], [0], [0], [1], [0, 0, 1, 1], [], []>, transpose_lhs_hint = false} : vector<2048x64xf32>, vector<64x128xf32>, vector<2048x128xf32> -> vector<2048x128xf32>
    %add3A_62 = arith.addf %add3A_57, %dot_general3A_61 : vector<2048x128xf32>
    %mul3A_63 = vector.broadcast %slice3A_51 : vector<2048x1xf32> to vector<2048x64xf32>
    %mul3A_64 = arith.mulf %convert_element_type3A_40, %mul3A_63 : vector<2048x64xf32>
    %dot_general3A_65 = arith.constant dense<0.000000e+00> : vector<2048x128xf32>
    %dot_general3A_66 = tpu.matmul %mul3A_64, %dot_general3A_16, %dot_general3A_65 {dimension_numbers = #tpu.dot_dimension_numbers<[1], [0], [0], [1], [0, 0, 1, 1], [], []>, transpose_lhs_hint = false} : vector<2048x64xf32>, vector<64x128xf32>, vector<2048x128xf32> -> vector<2048x128xf32>
    %add3A_67 = arith.addf %add3A_62, %dot_general3A_66 : vector<2048x128xf32>
    %add3A_68 = vector.broadcast %add3A : vector<1x128xf32> to vector<2048x128xf32>
    %add3A_69 = arith.addf %add3A_67, %add3A_68 : vector<2048x128xf32>
    %mul3A_70 = arith.mulf %add3A_69, %get3A_4 : vector<2048x128xf32>
    %ge3A = arith.constant 0.000000e+00 : f32
    %ge3A_71 = vector.broadcast %ge3A : f32 to vector<2048x128xf32>
    %ge3A_72 = arith.cmpf oge, %mul3A_70, %ge3A_71 : vector<2048x128xf32>
    %mul3A_73 = arith.constant 0.00999999977 : f32
    %mul3A_74 = vector.broadcast %mul3A_73 : f32 to vector<2048x128xf32>
    %mul3A_75 = arith.mulf %mul3A_74, %mul3A_70 : vector<2048x128xf32>
    %select_n3A = arith.select %ge3A_72, %mul3A_70, %mul3A_75 : vector<2048x128xi1>, vector<2048x128xf32>
    %reduce_sum3A = arith.constant dense<0.000000e+00> : vector<2048xf32>
    %reduce_sum3A_76 = vector.multi_reduction <add>, %select_n3A, %reduce_sum3A [1] : vector<2048x128xf32> to vector<2048xf32>
    %broadcast_in_dim3A_77 = vector.shape_cast %reduce_sum3A_76 : vector<2048xf32> to vector<2048x1xf32>
    %swap3A = arith.constant 0 : index
    %swap3A_78 = arith.constant 0 : index
    %swap3A_79 = vector.load %arg10[%swap3A, %swap3A_78] : memref<2048x1xf32, #tpu.memory_space<vmem>>, vector<2048x1xf32>
    tpu.vector_store %arg10[%swap3A, %swap3A_78], %broadcast_in_dim3A_77 {strides = array<i32>} : memref<2048x1xf32, #tpu.memory_space<vmem>>, vector<2048x1xf32>,
    return
  }
  func.func @transform_0(%arg0: i32) -> (i32, i32) {
    %c0_i32 = arith.constant 0 : i32
    %c0_i32_0 = arith.constant 0 : i32
    return %arg0, %c0_i32 : i32, i32
  }
  func.func @transform_1(%arg0: i32) -> (i32, i32) {
    %c0_i32 = arith.constant 0 : i32
    %c0_i32_0 = arith.constant 0 : i32
    return %arg0, %c0_i32 : i32, i32
  }
  func.func @transform_2(%arg0: i32) -> (i32, i32) {
    %c0_i32 = arith.constant 0 : i32
    %c0_i32_0 = arith.constant 0 : i32
    %c0_i32_1 = arith.constant 0 : i32
    return %c0_i32, %c0_i32_0 : i32, i32
  }
  func.func @transform_3(%arg0: i32) -> (i32, i32) {
    %c0_i32 = arith.constant 0 : i32
    %c0_i32_0 = arith.constant 0 : i32
    return %arg0, %c0_i32 : i32, i32
  }
  func.func @transform_4(%arg0: i32) -> (i32, i32) {
    %c0_i32 = arith.constant 0 : i32
    %c0_i32_0 = arith.constant 0 : i32
    %c0_i32_1 = arith.constant 0 : i32
    return %c0_i32, %c0_i32_0 : i32, i32
  }
  func.func @transform_5(%arg0: i32) -> (i32, i32) {
    %c0_i32 = arith.constant 0 : i32
    %c0_i32_0 = arith.constant 0 : i32
    %c0_i32_1 = arith.constant 0 : i32
    return %c0_i32, %c0_i32_0 : i32, i32
  }
  func.func @transform_6(%arg0: i32) -> (i32, i32) {
    %c0_i32 = arith.constant 0 : i32
    %c0_i32_0 = arith.constant 0 : i32
    %c0_i32_1 = arith.constant 0 : i32
    return %c0_i32, %c0_i32_0 : i32, i32
  }
  func.func @transform_7(%arg0: i32) -> (i32, i32) {
    %c0_i32 = arith.constant 0 : i32
    %c0_i32_0 = arith.constant 0 : i32
    %c0_i32_1 = arith.constant 0 : i32
    return %c0_i32, %c0_i32_0 : i32, i32
  }
  func.func @transform_8(%arg0: i32) -> (i32, i32) {
    %c0_i32 = arith.constant 0 : i32
    %c0_i32_0 = arith.constant 0 : i32
    %c0_i32_1 = arith.constant 0 : i32
    return %c0_i32, %c0_i32_0 : i32, i32
  }
  func.func @transform_9(%arg0: i32) -> (i32, i32) {
    %c0_i32 = arith.constant 0 : i32
    %c0_i32_0 = arith.constant 0 : i32
    return %arg0, %c0_i32 : i32, i32
  }
}

</mosaic_0001>

<sc_bundles>
// kernel: kernel.4.cloned.1.call-start
scs
__scs_entry_jumppad:
0x0: {  	(pc) =	sbr.rel $0x88, $3  }
0x1: {  	(tag) =	ssettag $0x0;
	lr =	simm.s32 $0x1  }
0x2: {  	[smem:$0x3F95] =	sst lr;
	_ =	strace $0xD0000000  }
0x3: {  	_ = 	snop  }
0x4: {  	_ = 	snop  }
0x5: {  	_ = 	snop  }
0x6: {  	_ = 	snop  }
0x7: {  	_ = 	snop  }
__scs_overlays_trampoline_lowered:
0x8: {  	[smem:$0x3FA4] =	sst s0  }
0x9: {  	[smem:$0x3FA5] =	sst s1  }
0xa: {  	[smem:$0x3FA6] =	sst s2  }
0xb: {  	[smem:$0x3FA7] =	sst s3  }
0xc: {  	[smem:$0x3FA8] =	sst s4  }
0xd: {  	[smem:$0x3FA9] =	sst s5  }
0xe: {  	[smem:$0x3FAA] =	sst s6  }
0xf: {  	[smem:$0x3FAB] =	sst s7  }
0x10: {  	[smem:$0x3FAC] =	sst s8  }
0x11: {  	[smem:$0x3FAD] =	sst s9;
	s0 =	simm.s32 @!p0 $0x0  }
0x12: {  	s1 =	sld [smem:$0x3F93];
	s0 =	simm.s32 @p0 $0x1  }
0x13: {  	[smem:$0x3FAE] =	sst s0;
	s0 =	simm.s32 @!p1 $0x0  }
0x14: {  	s2 =	sld [smem:$0x3F92];
	s0 =	simm.s32 @p1 $0x1  }
0x15: {  	[smem:$0x3FAF] =	sst s0;
	s0 =	simm.s32 @!p2 $0x0  }
0x16: {  	s3 =	sld [smem:$0x3FDB];
	s0 =	simm.s32 @p2 $0x1  }
0x17: {  	s4 =	simm.s32 $0x1BF5;
	[smem:$0x3FB1] =	sst s0  }
0x18: {  	s0 =	sld [smem:$0x3F94];
	_ =	swait.ge [sflag:s4], $0x0  }
0x19: {  	s7 =	sld [smem:$0x3F95]  }
0x1a: {  	s8 =	sadd.s32 $0xFFFFE003, lr  }
0x1b: {  	s9 =	sadd.s32 $0xFFFFFEF7, lr;
	s5 =	simm.s32 $0xFFFFFFFF;
	p2 =	slt.u32 s8, $0xFFFFF086  }
0x1c: {  	p1 =	slt.u32 s9, $0xF7A;
	s5 =	simm.s32 @!p2 $0x0  }
0x1d: {  	s5 =	simm.s32 @p1 $0x1;
	p0 =	seq.s32 s7, s2  }
0x1e: {  	s7 =	smul.u32 @!p0 $0xF7A, s2;
	p2 =	seq.s32 @!p0 s5, $0x0  }
0x1f: {  	s9 =	smul.u32 $0xF7A, s1;
	s8 =	simm.s32 @!p0 $0x1BF5;
	p2 =	por !p2, p0  }
0x20: {  	[sflag:s8] =	ssyncset.s32 @!p0 $0xFFFFF086;
	s6 =	sadd.s32 @!p0 s3, s7;
	s7 =	simm.s32 @!p0 $0x108  }
0x21: {  	s3 =	sadd.s32 s3, s9;
	s6 =	sadd.s32 @!p0 $0x88, s6;
	s7 =	simm.s32 @p2 $0x1082  }
0x22: {  	[simem:s7], [sflag:s8] =	dma.local @!p0 [hbm:s6], $0xF7A  }
0x23: {  	s9 =	sor.u32 $0xD0000000, s2;
	s6 =	simm.s32 $0x108;
	_ =	swait.ge @!p0 [sflag:s8], $0x0  }
0x24: {  	s3 =	sadd.s32 $0x88, s3;
	s6 =	simm.s32 @!p1 $0x1082;
	[sflag:s4] =	ssyncset.s32 $0xFFFFF086  }
0x25: {  	[simem:s6], [sflag:s4] =	dma.local [hbm:s3], $0xF7A  }
0x26: {  	[smem:$0x3F95] =	sst s1;
	(tag) =	ssettag s2;
	_ =	strace s9  }
0x27: {  	s1 =	sld [smem:$0x3FA5]  }
0x28: {  	s2 =	sld [smem:$0x3FA6]  }
0x29: {  	s4 =	sld [smem:$0x3FA8]  }
0x2a: {  	p0 =	seq.s32 s5, $0x0;
	s5 =	sld [smem:$0x3FA9]  }
0x2b: {  	s6 =	sld [smem:$0x3FAA]  }
0x2c: {  	s7 =	sld [smem:$0x3FAB]  }
0x2d: {  	s3 =	simm.s32 $0x108;
	s8 =	sld [smem:$0x3FAC]  }
0x2e: {  	s3 =	simm.s32 @!p0 $0x1082;
	s9 =	sld [smem:$0x3FAD]  }
0x2f: {  	lr =	sadd.s32 s0, s3;
	s0 =	sld [smem:$0x3FA4]  }
0x30: {  	s3 =	sld [smem:$0x3FA7]  }
0x31: {  	[smem:$0x3FB0] =	sst s10  }
0x32: {  	s10 =	sld [smem:$0x3FAE];
	_ =	sdelay $0x3  }
0x33: {  	p0 =	seq.s32 s10, $0x1;
	s10 =	sld [smem:$0x3FB0];
	_ =	sdelay $0x3  }
0x34: {  	[smem:$0x3FB0] =	sst s10  }
0x35: {  	s10 =	sld [smem:$0x3FAF];
	_ =	sdelay $0x3  }
0x36: {  	p1 =	seq.s32 s10, $0x1;
	s10 =	sld [smem:$0x3FB0];
	_ =	sdelay $0x3  }
0x37: {  	[smem:$0x3FB0] =	sst s10  }
0x38: {  	s10 =	sld [smem:$0x3FB1]  }
0x39: {  	_ = 	snop;
	(pc) =	sbr.ind lr, $3  }
0x3a: {  	_ = 	snop  }
0x3b: {  	_ = 	snop  }
0x3c: {  	p2 =	seq.s32 s10, $0x1;
	s10 =	sld [smem:$0x3FB0]  }
0x3d: {  	_ =	shalt  }
0x3e: {  	_ =	shalt  }
0x3f: {  	_ =	shalt  }
0x40: {  	_ =	shalt  }
0x41: {  	_ =	shalt  }
0x42: {  	_ =	shalt  }
0x43: {  	_ =	shalt  }
0x44: {  	_ =	shalt  }
0x45: {  	_ =	shalt  }
0x46: {  	_ =	shalt  }
0x47: {  	_ =	shalt  }
0x48: {  	_ =	shalt  }
0x49: {  	_ =	shalt  }
0x4a: {  	_ =	shalt  }
0x4b: {  	_ =	shalt  }
0x4c: {  	_ =	shalt  }
0x4d: {  	_ =	shalt  }
0x4e: {  	_ =	shalt  }
0x4f: {  	_ =	shalt  }
0x50: {  	_ =	shalt  }
0x51: {  	_ =	shalt  }
0x52: {  	_ =	shalt  }
0x53: {  	_ =	shalt  }
0x54: {  	_ =	shalt  }
0x55: {  	_ =	shalt  }
0x56: {  	_ =	shalt  }
0x57: {  	_ =	shalt  }
0x58: {  	_ =	shalt  }
0x59: {  	_ =	shalt  }
0x5a: {  	_ =	shalt  }
0x5b: {  	_ =	shalt  }
0x5c: {  	_ =	shalt  }
0x5d: {  	_ =	shalt  }
0x5e: {  	_ =	shalt  }
0x5f: {  	_ =	shalt  }
0x60: {  	_ =	shalt  }
0x61: {  	_ =	shalt  }
0x62: {  	_ =	shalt  }
0x63: {  	_ =	shalt  }
0x64: {  	_ =	shalt  }
0x65: {  	_ =	shalt  }
0x66: {  	_ =	shalt  }
0x67: {  	_ =	shalt  }
0x68: {  	_ =	shalt  }
0x69: {  	_ =	shalt  }
0x6a: {  	_ =	shalt  }
0x6b: {  	_ =	shalt  }
0x6c: {  	_ =	shalt  }
0x6d: {  	_ =	shalt  }
0x6e: {  	_ =	shalt  }
0x6f: {  	_ =	shalt  }
0x70: {  	_ =	shalt  }
0x71: {  	_ =	shalt  }
0x72: {  	_ =	shalt  }
0x73: {  	_ =	shalt  }
0x74: {  	_ =	shalt  }
0x75: {  	_ =	shalt  }
0x76: {  	_ =	shalt  }
0x77: {  	_ =	shalt  }
0x78: {  	_ =	shalt  }
0x79: {  	_ =	shalt  }
0x7a: {  	_ =	shalt  }
0x7b: {  	_ =	shalt  }
0x7c: {  	_ =	shalt  }
0x7d: {  	_ =	shalt  }
0x7e: {  	_ =	shalt  }
0x7f: {  	_ =	shalt  }
0x80: {  	_ =	shalt  }
0x81: {  	_ =	shalt  }
0x82: {  	_ =	shalt  }
0x83: {  	_ =	shalt  }
0x84: {  	_ =	shalt  }
0x85: {  	_ =	shalt  }
0x86: {  	_ =	shalt  }
0x87: {  	_ =	shalt  }
.Lfunc_end0:
.L_simem_size_0:
called_computation_lowered:
.L_overlay_start_0:
0x88: {  	s2 =	sld [smem:$0x3FD9]  }
0x89: {  	s3 =	sld [smem:$0x3FFE];
	_ =	sdelay $0x1  }
0x8a: {  	s1 =	srdreg.scid  }
0x8b: {  	s0 =	sand.u32 $0x1, s1  }
0x8c: {  	s17 =	sshll.u32 s0, $0xA;
	s2 =	sadd.s32 s3, s2  }
0x8d: {  	s2 =	sadd.s32 s2, s17  }
0x8e: {  	[smem:$0x3FBC] =	sst s2  }
0x8f: {  	_ = 	snop  }
0x90: {  	s2 =	sld [smem:$0x3FC9]  }
0x91: {  	s18 =	sld [smem:$0x3FC0]  }
0x92: {  	s4 =	sld [smem:$0x3FBF];
	(tm) =	ssettm $0x1  }
0x93: {  	s5 =	sld [smem:$0x3FFB];
	_ =	sdelay $0x3  }
0x94: {  	_ =	strace s5  }
0x95: {  	s5 =	sld [smem:$0x3FFC];
	_ =	sdelay $0x3  }
0x96: {  	_ =	strace s5  }
0x97: {  	s5 =	sld [smem:$0x3FFD];
	_ =	sdelay $0x3  }
0x98: {  	_ =	strace s5  }
0x99: {  	_ =	strace $0x8FFFFFFF  }
0x9a: {  	s19 =	sld [smem:$0x3FDB];
	_ =	sdelay $0x1  }
0x9b: {  	s6 =	simm.s32 $_scs_section_size  }
0x9c: {  	s7 =	simm.s32 $_size__tile_overlayer_lowered;
	s8 =	simm.s32 $_tile_overlayer_lowered  }
0x9d: {  	s22 =	simm.s32 $0x1BFF;
	s21 =	sshll.u32 s8, $0x1;
	s5 =	sadd.s32 s6, s19  }
0x9e: {  	s9 =	simm.s32 $0x0;
	s20 =	sshll.u32 s7, $0x1;
	s7 =	sadd.s32 s21, s5  }
0x9f: {  	[timem:s9], [sflag:s22] =	dma.local [hbm:s7], s20  }
0xa0: {  	_ =	swait.ge [sflag:s22], s20  }
0xa1: {  	s6 =	ssub.s32 $0x0, s20;
	[sflag:s22] =	ssyncset.done $0x0  }
0xa2: {  	[sflag:s22] =	ssyncadd.s32 s6;
	_ =	sdelay $0x1  }
0xa3: {  	s23 =	simm.s32 $0x1B8B  }
0xa4: {  	_ =	swait.ge [sflag:s23], $0x1  }
0xa5: {  	[sflag:s23] =	ssyncset.done $0x0  }
0xa6: {  	s25 =	simm.s32 $0x1B8E;
	s24 =	sld [smem:$0x3FFE];
	[sflag:s23] =	ssyncadd.s32 $0xFFFFFFFF  }
0xa7: {  	s26 =	simm.s32 $execute0_lowered;
	[smem:$0x3FD2] =	sst s25  }
0xa8: {  	s7 =	sshll.u32 s26, $0x1;
	_ =	strace $0x80000046;
	[dreg:$0x1] =	wrdreg $0xFFFFFFFF  }
0xa9: {  	s28 =	simm.s32 $_size_execute0_lowered;
	s5 =	sadd.s32 s5, s7;
	[dreg:$0x0] =	wrdreg $0x0  }
0xaa: {  	s7 =	sshll.u32 s28, $0x1;
	[dreg:$0x2] =	wrdreg s5  }
0xab: {  	[dreg:$0x3] =	wrdreg s7  }
0xac: {  	[dreg:$0x4] =	wrdreg $0xC0  }
0xad: {  	_ =	task [dreg:s9], $0x5FFFF  }
0xae: {  	[dreg:$0x1] =	wrdreg $0xFFFFFFFF  }
0xaf: {  	[dreg:$0x0] =	wrdreg $0x60  }
0xb0: {  	[dreg:$0x2] =	wrdreg s2  }
0xb1: {  	[dreg:$0x3] =	wrdreg s18  }
0xb2: {  	[dreg:$0x4] =	wrdreg s4  }
0xb3: {  	[dreg:$0x5] =	wrdreg s24  }
0xb4: {  	[dreg:$0x6] =	wrdreg $0x9  }
0xb5: {  	_ =	task.clear_ibuf [dreg:s9], $0x7FFFF;
	_ =	strace $0x90000046  }
0xb6: {  	s29 =	simm.s32 $0x9;
	_ =	strace $0x80000048  }
0xb7: {  	_ =	swait.ge [sflag:s29], $0x1  }
0xb8: {  	[sflag:s29] =	ssyncadd.s32 $0xFFFFFFFF  }
0xb9: {  	_ =	strace $0x90000048  }
0xba: {  	_ =	sfence  }
0xbb: {  	s30 =	sld [smem:$0x0];
	_ =	sdelay $0x2  }
0xbc: {  	s31 =	sshll.u32 s1, $0xD;
	s1 =	sshrl.u32 s1, $0x2  }
0xbd: {  	s3 =	sand.u32 $0x4000, s31;
	s1 =	sadd.s32 s1, s30  }
0xbe: {  	s0 =	sor.u32 s3, s0;
	s1 =	sshll.u32 s1, $0x11  }
0xbf: {  	s0 =	sor.u32 s1, s0  }
0xc0: {  	s0 =	sadd.s32 $0x8F2B, s0  }
0xc1: {  	[sflag:s0] =	ssyncadd.remote.s32 $0x1  }
0xc2: {  	_ =	sfence.sel $0xFFFF  }
0xc3: {  	[dreg:$0x0] =	wrdreg $0xFFFFFFFF;
	(pc) =	sbr.abs _section_cstart, $3  }
0xc4: {  	[dreg:$0x1] =	wrdreg $0xFFFFFFFF  }
0xc5: {  	_ =	task.clear_ibuf [dreg:s9], $0x2FFFF;
	_ =	strace $0x9FFFFFFF  }
0xc6: {  	(tm) =	ssettm $0x7FFFFFFF  }
0xc7: {  	_ =	shalt  }
tec
execute0_lowered:
.L_overlay_start_1:
0x0: {  	(tag) =	ssettag $0x1  }
0x1: {  	s1 =	rddreg [dreg:$0x0];
	s2 =	srdreg.scid  }
0x2: {  	s4 =	rddreg [dreg:$0x1];
	s0 =	stileid.u32;
	s14 =	sand.u32 $0x1, s2  }
0x3: {  	s5 =	rddreg [dreg:$0x2];
	s6 =	sshll.u32 s0, $0x8;
	s7 =	sshll.u32 s14, $0x7  }
0x4: {  	s12 =	rddreg [dreg:$0x3];
	s3 =	simm.s32 $0x0;
	s13 =	sor.u32 s7, s6  }
0x5: {  	[smem:$0x7FF] =	sst s3;
	s6 =	sshrl.u32 s13, $0x3  }
0x6: {  	s2 =	rddreg [dreg:$0x4];
	_ =	strace $0x80000047;
	s4 =	sadd.s32 s4, s6  }
0x7: {  	[tilespmem:s3], [sflag:$0x1] =	stream.linear.gather [hbm4b:s4+s3], $0x80, $0x38;
	[tilespmem:$0x8100] =	vst v63  }
0x8: {  	s7 =	simm.s32 $0x1;
	s5 =	sadd.s32 s5, s6;
	s6 =	simm.s32 $0x4080  }
0x9: {  	[tilespmem:s6], [sflag:$0x2] =	stream.linear.gather [hbm4b:s5+s3], $0x80, $0x38;
	[tilespmem:$0x8100] =	vst v63  }
0xa: {  	_ =	swait.ge [sflag:s7], $0x80  }
0xb: {  	[sflag:s7] =	ssyncset.done $0x0  }
0xc: {  	s8 =	simm.s32 $0x80;
	s9 =	simm.s32 $0x2;
	[sflag:s7] =	ssyncadd.s32 $0xFFFFFF80  }
0xd: {  	[tilespmem:s8], [sflag:$0x3] =	stream.indirect.gather [hbm4b:s1+s8], $0x80, s3, s8, $0xb8;
	[tilespmem:$0x8100] =	vst v63  }
0xe: {  	_ =	swait.ge [sflag:s9], $0x80  }
0xf: {  	[sflag:s9] =	ssyncset.done $0x0  }
0x10: {  	s10 =	simm.s32 $0x4100;
	s11 =	simm.s32 $0x3;
	[sflag:s9] =	ssyncadd.s32 $0xFFFFFF80  }
0x11: {  	[tilespmem:s10], [sflag:$0x4] =	stream.indirect.gather [hbm4b:s1+s8], $0x80, s6, s8, $0xb8;
	[tilespmem:$0x8100] =	vst v63  }
0x12: {  	s16 =	ssub.s32 $0x2, s14;
	s13 =	sshll.u32 s13, $0x4;
	_ =	swait.ge [sflag:s11], $0x4000  }
0x13: {  	s17 =	sshrl.u32 s16, $0x1;
	s15 =	sadd.s32 s13, s12;
	[sflag:s11] =	ssyncset.done $0x0  }
0x14: {  	s13 =	simm.s32 $0x4;
	s12 =	sadd.s32 $0x1A00, s15;
	[sflag:s11] =	ssyncadd.s32 $0xFFFFC000  }
0x15: {  	[hbm4b:s12+s3] =	stream.linear.scatter [tilespmem:s8], [sflag:$0x5], $0x4000, $0x38;
	[tilespmem:$0x8100] =	vst v63  }
0x16: {  	s16 =	ssub.s32 s16, s17;
	_ =	swait.ge [sflag:s13], $0x4000  }
0x17: {  	s17 =	smax.u32 s16, $0x1;
	s14 =	sadd.s32 $0x11A00, s15;
	[sflag:s13] =	ssyncset.done $0x0  }
0x18: {  	s15 =	simm.s32 $0x5;
	p0 =	sne.s32 s17, $0x1;
	[sflag:s13] =	ssyncadd.s32 $0xFFFFC000  }
0x19: {  	[hbm4b:s14+s3] =	stream.linear.scatter [tilespmem:s10], [sflag:$0x6], $0x4000, $0x38;
	[tilespmem:$0x8100] =	vst v63  }
.Ltmp0:
0x1a: {  	_ =	swait.ge [sflag:s15], $0x4000;
	(pc) =	sbr.rel @!p0 .LBB2_2-.Ltmp0, $4  }
0x1b: {  	[sflag:s15] =	ssyncset.done $0x0  }
0x1c: {  	s16 =	simm.s32 $0x6;
	[sflag:s15] =	ssyncadd.s32 $0xFFFFC000  }
0x1d: {  	_ =	swait.ge [sflag:s16], $0x4000  }
0x1e: {  	s17 =	sadd.s32 $0xFFFFFFFF, s17;
	[sflag:s16] =	ssyncset.done $0x0  }
.LBB2_1:
0x1f: {  	p0 =	sne.s32 s17, $0x1;
	s17 =	sadd.s32 $0xFFFFFFFF, s17;
	[sflag:s16] =	ssyncadd.s32 $0xFFFFC000  }
0x20: {  	[tilespmem:s3], [sflag:$0x1] =	stream.linear.gather [hbm4b:s4+s3], $0x80, $0x38;
	[tilespmem:$0x8100] =	vst v63  }
0x21: {  	_ = 	snop  }
0x22: {  	[tilespmem:s6], [sflag:$0x2] =	stream.linear.gather [hbm4b:s5+s3], $0x80, $0x38;
	[tilespmem:$0x8100] =	vst v63  }
0x23: {  	_ =	swait.ge [sflag:s7], $0x80  }
0x24: {  	[sflag:s7] =	ssyncset.done $0x0  }
0x25: {  	[sflag:s7] =	ssyncadd.s32 $0xFFFFFF80  }
0x26: {  	[tilespmem:s8], [sflag:$0x3] =	stream.indirect.gather [hbm4b:s1+s8], $0x80, s3, s8, $0xb8;
	[tilespmem:$0x8100] =	vst v63  }
0x27: {  	_ =	swait.ge [sflag:s9], $0x80  }
0x28: {  	[sflag:s9] =	ssyncset.done $0x0  }
0x29: {  	[sflag:s9] =	ssyncadd.s32 $0xFFFFFF80  }
0x2a: {  	[tilespmem:s10], [sflag:$0x4] =	stream.indirect.gather [hbm4b:s1+s8], $0x80, s6, s8, $0xb8;
	[tilespmem:$0x8100] =	vst v63  }
0x2b: {  	_ =	swait.ge [sflag:s11], $0x4000  }
0x2c: {  	[sflag:s11] =	ssyncset.done $0x0  }
0x2d: {  	[sflag:s11] =	ssyncadd.s32 $0xFFFFC000  }
0x2e: {  	[hbm4b:s12+s3] =	stream.linear.scatter [tilespmem:s8], [sflag:$0x5], $0x4000, $0x38;
	[tilespmem:$0x8100] =	vst v63  }
0x2f: {  	_ =	swait.ge [sflag:s13], $0x4000  }
0x30: {  	[sflag:s13] =	ssyncset.done $0x0  }
0x31: {  	[sflag:s13] =	ssyncadd.s32 $0xFFFFC000  }
0x32: {  	[hbm4b:s14+s3] =	stream.linear.scatter [tilespmem:s10], [sflag:$0x6], $0x4000, $0x38;
	[tilespmem:$0x8100] =	vst v63  }
.Ltmp1:
0x33: {  	_ =	swait.ge [sflag:s15], $0x4000;
	(pc) =	sbr.rel @p0 .LBB2_1-.Ltmp1, $4  }
0x34: {  	[sflag:s15] =	ssyncset.done $0x0  }
0x35: {  	[sflag:s15] =	ssyncadd.s32 $0xFFFFC000  }
0x36: {  	_ =	swait.ge [sflag:s16], $0x4000  }
0x37: {  	[sflag:s16] =	ssyncset.done $0x0  }
.LBB2_2:
0x38: {  	[sflag:s16] =	ssyncadd.s32 $0xFFFFC000  }
0x39: {  	_ =	sfence.sel $0x180000  }
0x3a: {  	[bflag:$0x0] =	sbarrier.arrive $0xFFFF  }
0x3b: {  	p0 =	sne.s32 s0, $0x0;
	_ =	strace $0x90000047  }
0x3c: {  	s0 =	sadd.s32 @!p0 $0x100000, s2;
	[bflag:$0x2] =	sbarrier.arrive $0xFFFF  }
0x3d: {  	[sflag:s0] =	ssyncadd.tile.s32 @!p0 $0x1;
	_ =	shalt  }
.Lfunc_end2:
_tile_overlayer_lowered:
.L_overlay_start_2:
0x3e: {  	(tag) =	ssettag $0x2  }
0x3f: {  	s0 =	rddreg [dreg:$0x0];
	s2 =	stileid.u32  }
0x40: {  	s1 =	rddreg [dreg:$0x1];
	p0 =	sne.s32 s2, $0x0  }
0x41: {  	s3 =	rddreg [dreg:$0x2];
	[bflag:$0x3] =	sbarrier.arrive $0xFFFF;
	s2 =	simm.s32 @!p0 $0x1C07  }
0x42: {  	[timem:s3], [sflag:s2] =	dma.local @!p0 [hbm:s0], s1  }
0x43: {  	s0 =	simm.s32 @!p0 $0x7  }
0x44: {  	_ =	swait.ge @!p0 [sflag:s0], s1  }
0x45: {  	s1 =	ssub.s32 @!p0 $0x0, s1;
	[sflag:s0] =	ssyncset.done @!p0 $0x0  }
0x46: {  	[sflag:s0] =	ssyncadd.s32 @!p0 s1  }
0x47: {  	[bflag:$0x3] =	sbarrier.arrive $0xFFFF  }
0x48: {  	_ =	shalt  }

</sc_bundles>
